<compile_context>
chip_gen: v7x
topology: tpu7x:2x2x1
jax: 0.10.2.dev20260603
libtpu: 0.0.44.dev20260713+nightly
codegen_flags: <defaults>
</compile_context>

<pallas_src>
import jax
import jax.numpy as jnp
from jax.experimental import pallas as pl

_R = 512 * 3
_C = 224 * 224
_BR = 16


def _tanh_block(x_ref, o_ref):
    o_ref[...] = jnp.tanh(x_ref[...])


def kernel(input, images):
    x = images.reshape(_R, _C)
    y = pl.pallas_call(
        _tanh_block,
        out_shape=jax.ShapeDtypeStruct((_R, _C), jnp.float32),
        grid=(_R // _BR,),
        in_specs=[pl.BlockSpec((_BR, _C), lambda i: (i, 0))],
        out_specs=pl.BlockSpec((_BR, _C), lambda i: (i, 0)),
    )(x)
    return y.reshape(images.shape)

# --- scband reference (transcript-rebuilt; emitter-appended) ---
"""Pipeline reference for scband-generator-47115791237206 (READ-ONLY COPY).

The authoritative reference and input builder live on the scoring server;
editing this copy changes nothing except your own understanding.
"""

import jax, jax.numpy as jnp
import numpy as np

N = 512
CH = 3
OUT = 224
ZDIM = 128

def setup_inputs(seed: int = 0) -> dict:
    key = jax.random.key(seed)
    k1, k2 = jax.random.split(key)
    inp = jax.random.normal(k1, (N, ZDIM), dtype=jnp.float32)
    images = jax.random.normal(k2, (N, CH, OUT, OUT), dtype=jnp.float32) * 0.5
    return {"input": inp, "images": images}

def reference(input, images):
    b = input.shape[0]
    n = images.shape[0]
    if b != n:
        # deterministic stand-in for randperm slice: take first b rows
        outputs = images[:b]
    else:
        outputs = images
    return jnp.tanh(outputs)

if __name__ == "__main__":
    import jax
    _d = setup_inputs()
    print(jax.jit(kernel)(*tuple(_d.values())))

</pallas_src>

<mosaic_0001>
module attributes {stable_mosaic.version = 14 : i64} {
  func.func @_tanh_block(%arg0: i32, %arg1: memref<16x50176xf32, #tpu.memory_space<vmem>>, %arg2: memref<16x50176xf32, #tpu.memory_space<vmem>>) attributes {dimension_semantics = [#tpu.dimension_semantics<arbitrary>], iteration_bounds = array<i64: 96>, scalar_prefetch = 0 : i64, scratch_operands = 0 : i64, tpu.core_type = #tpu.core_type<tc>, window_params = [{transform_indices = @transform_0, window_bounds = array<i64: 16, 50176>}, {transform_indices = @transform_1, window_bounds = array<i64: 16, 50176>}]} {
    %get3A = arith.constant 0 : index
    %get3A_0 = arith.constant 0 : index
    %get3A_1 = vector.load %arg1[%get3A, %get3A_0] : memref<16x50176xf32, #tpu.memory_space<vmem>>, vector<16x50176xf32>
    %tanh3A = math.tanh %get3A_1 : vector<16x50176xf32>
    %swap3A = arith.constant 0 : index
    %swap3A_2 = arith.constant 0 : index
    %swap3A_3 = vector.load %arg2[%swap3A, %swap3A_2] : memref<16x50176xf32, #tpu.memory_space<vmem>>, vector<16x50176xf32>
    tpu.vector_store %arg2[%swap3A, %swap3A_2], %tanh3A {strides = array<i32>} : memref<16x50176xf32, #tpu.memory_space<vmem>>, vector<16x50176xf32>,
    return
  }
  func.func @transform_0(%arg0: i32) -> (i32, i32) {
    %c0_i32 = arith.constant 0 : i32
    %c0_i32_0 = arith.constant 0 : i32
    return %arg0, %c0_i32 : i32, i32
  }
  func.func @transform_1(%arg0: i32) -> (i32, i32) {
    %c0_i32 = arith.constant 0 : i32
    %c0_i32_0 = arith.constant 0 : i32
    return %arg0, %c0_i32 : i32, i32
  }
}

</mosaic_0001>

<sc_bundles>
// kernel: sparse-core-data-format-call.cloned.1.call-start
scs
called_computation_lowered:
.L_overlay_start_0:
0x0: {  	s2 =	sld [smem:$0x3FD9]  }
0x1: {  	s3 =	sld [smem:$0x3FFE];
	_ =	sdelay $0x1  }
0x2: {  	s1 =	srdreg.scid  }
0x3: {  	s0 =	sand.u32 $0x1, s1  }
0x4: {  	s18 =	sshll.u32 s0, $0xA;
	s2 =	sadd.s32 s3, s2  }
0x5: {  	s2 =	sadd.s32 s2, s18  }
0x6: {  	[smem:$0x3FC7] =	sst s2  }
0x7: {  	_ = 	snop  }
0x8: {  	s2 =	sld [smem:$0x3FD0];
	(tm) =	ssettm $0x1  }
0x9: {  	s19 =	sld [smem:$0x3FFB];
	_ =	sdelay $0x3  }
0xa: {  	_ =	strace s19  }
0xb: {  	s3 =	sld [smem:$0x3FFC];
	_ =	sdelay $0x3  }
0xc: {  	_ =	strace s3  }
0xd: {  	s3 =	sld [smem:$0x3FFD];
	_ =	sdelay $0x3  }
0xe: {  	_ =	strace s3  }
0xf: {  	_ =	strace $0x8FFFFFFF  }
0x10: {  	s20 =	sld [smem:$0x3FDB];
	_ =	sdelay $0x1  }
0x11: {  	s4 =	simm.s32 $_scs_section_size  }
0x12: {  	s5 =	simm.s32 $_size__tile_overlayer_lowered;
	s6 =	simm.s32 $_tile_overlayer_lowered  }
0x13: {  	s23 =	simm.s32 $0x1BFF;
	s22 =	sshll.u32 s6, $0x1;
	s3 =	sadd.s32 s4, s20  }
0x14: {  	s7 =	simm.s32 $0x0;
	s21 =	sshll.u32 s5, $0x1;
	s5 =	sadd.s32 s22, s3  }
0x15: {  	[timem:s7], [sflag:s23] =	dma.local [hbm:s5], s21  }
0x16: {  	_ =	swait.ge [sflag:s23], s21  }
0x17: {  	s4 =	ssub.s32 $0x0, s21;
	[sflag:s23] =	ssyncset.done $0x0  }
0x18: {  	[sflag:s23] =	ssyncadd.s32 s4;
	_ =	sdelay $0x1  }
0x19: {  	s24 =	simm.s32 $0x1B8B  }
0x1a: {  	_ =	swait.ge [sflag:s24], $0x1  }
0x1b: {  	[sflag:s24] =	ssyncset.done $0x0  }
0x1c: {  	s26 =	simm.s32 $0x1B8E;
	s25 =	sld [smem:$0x3FFE];
	[sflag:s24] =	ssyncadd.s32 $0xFFFFFFFF  }
0x1d: {  	s27 =	simm.s32 $execute0_lowered;
	[smem:$0x3FD2] =	sst s26  }
0x1e: {  	s5 =	sshll.u32 s27, $0x1;
	_ =	strace $0x80000046;
	[dreg:$0x1] =	wrdreg $0xFFFFFFFF  }
0x1f: {  	s28 =	simm.s32 $_size_execute0_lowered;
	s3 =	sadd.s32 s3, s5;
	[dreg:$0x0] =	wrdreg $0x0  }
0x20: {  	s5 =	sshll.u32 s28, $0x1;
	[dreg:$0x2] =	wrdreg s3  }
0x21: {  	[dreg:$0x3] =	wrdreg s5  }
0x22: {  	[dreg:$0x4] =	wrdreg $0xC0  }
0x23: {  	_ =	task [dreg:s7], $0x5FFFF  }
0x24: {  	[dreg:$0x1] =	wrdreg $0xFFFFFFFF  }
0x25: {  	[dreg:$0x0] =	wrdreg $0x60  }
0x26: {  	[dreg:$0x2] =	wrdreg s25  }
0x27: {  	[dreg:$0x3] =	wrdreg s2  }
0x28: {  	[dreg:$0x4] =	wrdreg $0x9  }
0x29: {  	_ =	task.clear_ibuf [dreg:s7], $0x5FFFF;
	_ =	strace $0x90000046  }
0x2a: {  	s29 =	simm.s32 $0x9;
	_ =	strace $0x80000048  }
0x2b: {  	_ =	swait.ge [sflag:s29], $0x1  }
0x2c: {  	[sflag:s29] =	ssyncadd.s32 $0xFFFFFFFF  }
0x2d: {  	_ =	strace $0x90000048  }
0x2e: {  	_ =	sfence  }
0x2f: {  	s30 =	sld [smem:$0x0];
	_ =	sdelay $0x2  }
0x30: {  	s31 =	sshll.u32 s1, $0xD;
	s1 =	sshrl.u32 s1, $0x2  }
0x31: {  	s3 =	sand.u32 $0x4000, s31;
	s1 =	sadd.s32 s1, s30  }
0x32: {  	s0 =	sor.u32 s3, s0;
	s1 =	sshll.u32 s1, $0x11  }
0x33: {  	s0 =	sor.u32 s1, s0  }
0x34: {  	s0 =	sadd.s32 $0x8F2B, s0  }
0x35: {  	[sflag:s0] =	ssyncadd.remote.s32 $0x1  }
0x36: {  	_ =	sfence.sel $0xFFFF  }
0x37: {  	[dreg:$0x0] =	wrdreg $0xFFFFFFFF;
	(pc) =	sbr.abs _section_cstart, $3  }
0x38: {  	[dreg:$0x1] =	wrdreg $0xFFFFFFFF  }
0x39: {  	_ =	task.clear_ibuf [dreg:s7], $0x2FFFF;
	_ =	strace $0x9FFFFFFF  }
0x3a: {  	(tm) =	ssettm $0x7FFFFFFF  }
0x3b: {  	_ =	shalt  }
tec
execute0_lowered:
.L_overlay_start_1:
0x0: {  	(tag) =	ssettag $0x1  }
0x1: {  	s0 =	stileid.u32  }
0x2: {  	s4 =	rddreg [dreg:$0x0];
	_ =	strace $0x80000047;
	s7 =	srdreg.scid  }
0x3: {  	s8 =	simm.s32 $0x2;
	s19 =	simm.s32 $0x0;
	s9 =	simm.s32 $0x1000  }
0x4: {  	s21 =	simm.s32 $0x0;
	s22 =	simm.s32 $0x0;
	s20 =	simm.s32 $0x0  }
0x5: {  	s10 =	simm.s32 $0x0;
	s12 =	simm.s32 $0x0;
	s1 =	sshll.u32 s0, $0x7  }
0x6: {  	s13 =	simm.s32 $0x0;
	s14 =	simm.s32 $0x0;
	s3 =	sand.u32 $0x180, s1  }
0x7: {  	s16 =	simm.s32 $0x0;
	s18 =	simm.s32 $0x0;
	s5 =	ssub.s32 $0x200, s3  }
0x8: {  	s7 =	sshll.u32 s7, $0x4;
	s4 =	sadd.s32 $0x930400, s4;
	s6 =	sand.u32 $0x180, s5  }
0x9: {  	s7 =	sand.u32 $0x10, s7;
	p0 =	sne.s32 s6, $0x0;
	s6 =	simm.s32 $0x1  }
.Ltmp0:
0xa: {  	s5 =	sshrl.u32 s5, $0x9;
	s6 =	simm.s32 @!p0 $0x0;
	(pc) =	sbr.rel .LBB1_1-.Ltmp0, $4  }
0xb: {  	s1 =	simm.s32 $0x0;
	s7 =	sor.u32 s0, s7;
	s6 =	sadd.s32 s6, s5  }
0xc: {  	s7 =	sshrl.u32 s7, $0x2;
	s5 =	simm.s32 $0x1;
	s6 =	smul.u32 $0xA8, s6  }
0xd: {  	s17 =	smov.u32 s3;
	s15 =	smov.u32 s7;
	[sflag:s5] =	ssyncpa.u1 $0x0  }
0xe: {  	p0 =	por $0x0, $0x0;
	[sflag:s8] =	ssyncpa.u1 $0x0;
	s8 =	sor.u32 $0x1, s6  }
.LBB1_4:
0xf: {  	v5 =	vld [tilespmem:s24+$0xFFFFFFD0]  }
0x10: {  	s27 =	sshra.s32 s27, $0x2;
	v58 =	vld [tilespmem:s24+$0xFFFFFFE0]  }
0x11: {  	s31 =	sshll.u32 s10, $0x9;
	p1 =	sgt.s32 s12, $0x2;
	s28 =	smov.u32 s12;
	v59 =	vld [tilespmem:s24+$0xFFFFFFF0]  }
0x12: {  	s29 =	sshra.s32 s12, $0x1F;
	s30 =	sshll.u32 s13, $0x3;
	s2 =	sshra.s32 s13, $0x1F;
	v60 =	vld [tilespmem:s24+$0x0]  }
0x13: {  	s11 =	smov.u32 s1;
	v61 =	vld [tilespmem:s24+$0x10];
	s26 =	sadd.s32 s27, s26;
	s28 =	simm.s32 @!p1 $0x2  }
0x14: {  	v62 =	vld [tilespmem:s24+$0x20];
	s29 =	sand.u32 s29, s12;
	s27 =	sand.u32 $0xFFFFF000, s31;
	s30 =	sand.u32 $0xFFFFFC00, s30  }
0x15: {  	v63 =	vld [tilespmem:s24+$0xFFFFFFC0];
	s24 =	smul.u32 $0x310000, s12;
	s28 =	ssub.s32 s28, s29;
	s27 =	sadd.s32 s30, s27  }
0x16: {  	s29 =	sshll.u32 s10, $0x7;
	s30 =	smov.u32 s13;
	s0 =	sadd.s32 $0xFFFFFFFE, s28  }
0x17: {  	s31 =	sand.u32 $0x200, s29;
	s28 =	ssub.s32 $0x3, s28;
	s29 =	sand.u32 $0x180, s29  }
0x18: {  	p1 =	sgt.s32 s0, $0x0;
	s27 =	sor.u32 s31, s27;
	s0 =	sshra.s32 s1, $0x1F  }
0x19: {  	s31 =	sand.u32 s2, s13;
	s2 =	sshra.s32 s10, $0x1F;
	s28 =	simm.s32 @p1 $0x0  }
0x1a: {  	p1 =	sgt.s32 s13, $0x180;
	s27 =	sshrl.u32 s27, $0x9;
	s0 =	sand.u32 s0, s1  }
0x1b: {  	s2 =	sand.u32 s2, s10;
	s30 =	simm.s32 @!p1 $0x180;
	p1 =	sgt.s32 s1, $0xDF  }
0x1c: {  	s11 =	simm.s32 @!p1 $0xDF;
	s30 =	ssub.s32 s30, s31;
	p1 =	sgt.s32 s10, $0x60  }
0x1d: {  	[tilespmem:s25+$0x2040 ss:$0x81] =	vst.msk $0xffff, v4;
	s0 =	ssub.s32 s11, s0;
	s11 =	smov.u32 s10;
	s31 =	sadd.s32 $0xFFFFFE80, s30  }
0x1e: {  	[tilespmem:s25+$0x2850 ss:$0x81] =	vst.msk $0xffff, v3;
	s30 =	ssub.s32 $0x200, s30;
	s11 =	simm.s32 @!p1 $0x60;
	p1 =	sgt.s32 s31, $0x7F  }
0x1f: {  	[tilespmem:s25+$0x3060 ss:$0x81] =	vst.msk $0xffff, v2;
	s31 =	sadd.s32 $0xFFFFFF21, s0;
	s0 =	ssub.s32 $0xE0, s0;
	s30 =	simm.s32 @p1 $0x0  }
0x20: {  	[tilespmem:s25+$0x0 ss:$0x81] =	vst.msk $0xffff, v1;
	p1 =	sgt.s32 s31, $0x0;
	s31 =	smulhi.u32 $0x124924A, s27;
	s2 =	ssub.s32 s11, s2  }
0x21: {  	[tilespmem:s26+$0x3870 ss:$0x81] =	vst.msk $0xffff, v0;
	s25 =	smul.u32 s30, s28;
	s30 =	sand.u32 $0x78, s13;
	s0 =	simm.s32 @p1 $0x0  }
0x22: {  	[tilespmem:s26+$0x810 ss:$0x81] =	vst.msk $0xffff, v5;
	s28 =	smul.u32 $0xE0, s31;
	s31 =	sadd.s32 $0xFFFFFFA0, s2;
	s2 =	ssub.s32 $0xE0, s2  }
0x23: {  	[tilespmem:s26+$0x1020 ss:$0x81] =	vst.msk $0xffff, v58;
	s29 =	sor.u32 s30, s29;
	s0 =	smul.u32 s0, s25;
	p1 =	sgt.s32 s31, $0x7F  }
0x24: {  	[tilespmem:s26+$0x1830 ss:$0x81] =	vst.msk $0xffff, v59;
	s30 =	smul.u32 $0x3800, s1;
	s31 =	rddreg [dreg:$0x1];
	s2 =	simm.s32 @p1 $0x0  }
0x25: {  	[tilespmem:s26+$0x2040 ss:$0x81] =	vst.msk $0xffff, v60;
	s27 =	ssub.s32 s27, s28;
	s0 =	smul.u32 s2, s0;
	s2 =	sadd.s32 s31, s24  }
0x26: {  	[tilespmem:s26+$0x2850 ss:$0x81] =	vst.msk $0xffff, v61;
	s28 =	sshrl.u32 s29, $0x3;
	s29 =	sand.u32 $0x7, s13;
	s2 =	sadd.s32 s30, s2  }
0x27: {  	[tilespmem:s26+$0x3060 ss:$0x81] =	vst.msk $0xffff, v62;
	s31 =	sshll.u32 s29, $0x12;
	s30 =	sshll.u32 s27, $0x6;
	s2 =	sadd.s32 s28, s2  }
0x28: {  	[tilespmem:s26+$0x0 ss:$0x81] =	vst.msk $0xffff, v63;
	s11 =	sor.u32 $0x400, s31;
	s0 =	sand.u32 $0x3FFFFFFF, s0;
	s2 =	sadd.s32 s30, s2  }
0x29: {  	[hbm4b:s2+s11] =	stream.strided.scatter [tilespmem:s23], [sflag:$0x2], s0, s9, s11, $0x20;
	[tilespmem:$0x10100] =	vst v63  }
.LBB1_5:
0x2a: {  	p1 =	slt.u32 s18, $0x2;
	s0 =	smov.u32 s22  }
0x2b: {  	s11 =	smov.u32 s21;
	s23 =	sadd.s32 $0x80, s14;
	s24 =	smov.u32 s15  }
0x2c: {  	s25 =	smov.u32 s17;
	p0 =	por !p0, !p0;
	p2 =	sgt.s32 @!p1 s22, $0x2  }
0x2d: {  	s2 =	sshra.s32 @!p1 s22, $0x1F;
	p4 =	sgt.s32 @!p1 s19, $0x60;
	p2 =	por !p2, p1  }
0x2e: {  	s2 =	sand.u32 @!p1 s2, s22;
	s0 =	simm.s32 @p2 $0x2;
	p2 =	sgt.s32 @!p1 s21, $0xDF  }
0x2f: {  	s22 =	sshra.s32 @!p1 s21, $0x1F;
	s0 =	ssub.s32 @!p1 s0, s2;
	p2 =	por !p2, p1  }
0x30: {  	s2 =	sadd.s32 @!p1 $0xFFFFFFFE, s0;
	s11 =	simm.s32 @p2 $0xDF;
	s0 =	ssub.s32 @!p1 $0x3, s0  }
0x31: {  	p3 =	sgt.s32 @!p1 s2, $0x0;
	s2 =	sand.u32 @!p1 s22, s21;
	s21 =	sshra.s32 @!p1 s20, $0x1F  }
0x32: {  	s22 =	smov.u32 s12;
	p2 =	por !p3, p1;
	s2 =	ssub.s32 @!p1 s11, s2  }
0x33: {  	p3 =	sgt.s32 @!p1 s20, $0x180;
	s0 =	simm.s32 @!p2 $0x0;
	s11 =	sadd.s32 @!p1 $0xFFFFFF21, s2  }
0x34: {  	p3 =	por !p3, p1;
	p2 =	sgt.s32 @!p1 s11, $0x0;
	s11 =	smov.u32 s20  }
0x35: {  	s2 =	ssub.s32 @!p1 $0xE0, s2;
	s20 =	sand.u32 @!p1 s21, s20;
	s11 =	simm.s32 @p3 $0x180  }
0x36: {  	s21 =	smov.u32 s19;
	s11 =	ssub.s32 @!p1 s11, s20;
	s20 =	sshra.s32 @!p1 s19, $0x1F  }
0x37: {  	p2 =	por !p2, p1;
	s19 =	sand.u32 @!p1 s20, s19;
	s20 =	sadd.s32 @!p1 $0xFFFFFE80, s11  }
0x38: {  	p3 =	por !p4, p1;
	s2 =	simm.s32 @!p2 $0x0;
	p2 =	sgt.s32 @!p1 s20, $0x7F  }
0x39: {  	s21 =	simm.s32 @p3 $0x60;
	s11 =	ssub.s32 @!p1 $0x200, s11;
	p2 =	por !p2, p1  }
0x3a: {  	s12 =	smov.u32 s16;
	s19 =	ssub.s32 @!p1 s21, s19;
	s11 =	simm.s32 @!p2 $0x0  }
0x3b: {  	p2 =	sgt.s32 s23, $0xDF;
	s0 =	smul.u32 @!p1 s11, s0;
	s11 =	sadd.s32 $0x8, s15  }
0x3c: {  	s21 =	smov.u32 s1;
	s1 =	smov.u32 s15;
	s24 =	smov.u32 @p2 s11  }
0x3d: {  	s0 =	smul.u32 @!p1 s2, s0;
	p4 =	sgt.s32 s24, $0xDF;
	s2 =	simm.s32 $0x1  }
0x3e: {  	s20 =	sadd.s32 @!p1 $0xFFFFFFA0, s19;
	s19 =	ssub.s32 @!p1 $0xE0, s19;
	s2 =	simm.s32 @!p4 $0x0  }
0x3f: {  	p3 =	sgt.s32 @!p1 s20, $0x7F;
	s20 =	smov.u32 s13;
	s2 =	sadd.s32 s2, s16  }
0x40: {  	s23 =	simm.s32 @p2 $0x0;
	s11 =	sadd.s32 $0x200, s17;
	p2 =	sgt.s32 s2, $0x2  }
0x41: {  	s13 =	smov.u32 s17;
	p3 =	por !p3, p1;
	s25 =	smov.u32 @p2 s11  }
0x42: {  	s19 =	simm.s32 @!p3 $0x0;
	s2 =	simm.s32 @p2 $0x0;
	p2 =	sgt.s32 s25, $0x1FF  }
0x43: {  	s0 =	smul.u32 @!p1 s19, s0;
	s25 =	smov.u32 @p2 s3;
	p2 =	sne.s32 s18, s8  }
.Ltmp1:
0x44: {  	s24 =	smov.u32 @p4 s7;
	s19 =	smov.u32 s10;
	(pc) =	sbr.rel @!p2 .LBB1_6-.Ltmp1, $4  }
0x45: {  	s10 =	smov.u32 s14;
	s0 =	sand.u32 @!p1 $0x3FFFFFFF, s0;
	s11 =	simm.s32 @!p1 $0x2  }
0x46: {  	s14 =	smov.u32 s23;
	s15 =	smov.u32 s24;
	_ =	swait.ge @!p1 [sflag:s11], s0  }
0x47: {  	s0 =	ssub.s32 @!p1 $0x0, s0;
	s16 =	smov.u32 s2;
	[sflag:s11] =	ssyncset.done @!p1 $0x0  }
0x48: {  	s18 =	sadd.s32 $0x1, s18;
	[sflag:s11] =	ssyncadd.s32 @!p1 s0;
	s17 =	smov.u32 s25  }
.LBB1_1:
0x49: {  	p1 =	sge.u32 s18, s6  }
0x4a: {  	s23 =	sshll.u32 @!p1 s15, $0x8;
	s24 =	sshll.u32 @!p1 s14, $0x3  }
0x4b: {  	s25 =	sshll.u32 @!p1 s15, $0x7;
	s23 =	sand.u32 @!p1 $0xFFFFF800, s23;
	s24 =	sand.u32 @!p1 $0xFFFFFC00, s24  }
0x4c: {  	s23 =	sadd.s32 @!p1 s23, s24;
	s24 =	sand.u32 @!p1 $0x300, s25  }
0x4d: {  	s23 =	sor.u32 @!p1 s24, s23  }
0x4e: {  	s23 =	sshrl.u32 @!p1 s23, $0x8  }
0x4f: {  	s24 =	smulhi.u32 @!p1 $0x124924A, s23  }
0x50: {  	s31 =	sadd.s32 $0xFFFFFFFF, s18;
	s26 =	sxor.u32 @!p1 $0xFFFFFFFF, s18;
	s28 =	smul.u32 @!p1 $0x5400, s17  }
0x51: {  	s27 =	sand.u32 @!p1 $0x78, s14;
	s25 =	sand.u32 @!p1 $0x80, s25;
	s24 =	smul.u32 @!p1 $0xE0, s24  }
0x52: {  	s26 =	sshll.u32 @!p1 s26, $0xE;
	s25 =	sor.u32 @!p1 s27, s25;
	s27 =	smul.u32 @!p1 $0x1C00, s16  }
0x53: {  	s23 =	ssub.s32 @!p1 s23, s24;
	s24 =	sand.u32 @!p1 $0x4000, s26;
	s26 =	sadd.s32 @!p1 s4, s28  }
0x54: {  	s25 =	sshrl.u32 @!p1 s25, $0x3;
	s26 =	sadd.s32 @!p1 s27, s26;
	s27 =	sand.u32 @!p1 $0x7, s14  }
0x55: {  	s23 =	sshll.u32 @!p1 s23, $0x5;
	s25 =	sadd.s32 @!p1 s25, s26;
	s26 =	sshll.u32 @!p1 s27, $0x12  }
0x56: {  	s23 =	sadd.s32 @!p1 s23, s25;
	s25 =	sor.u32 @!p1 $0x80, s26;
	s26 =	simm.s32 @!p1 $0x2A000  }
0x57: {  	[tilespmem:s24], [sflag:$0x1] =	stream.strided.gather @!p1 [hbm4b:s23+s25], $0x4000, s26, s25, $0x38;
	[tilespmem:$0x10100] =	vst v63  }
0x58: {  	p1 =	sge.u32 s31, s6  }
.Ltmp2:
0x59: {  	_ = 	snop;
	(pc) =	sbr.rel @p1 .LBB1_5-.Ltmp2, $1  }
0x5a: {  	_ =	sdelay $0x3  }
0x5b: {  	s23 =	simm.s32 $0x1  }
0x5c: {  	_ =	swait.ge [sflag:s5], $0x4000;
	s23 =	simm.s32 @!p0 $0x0  }
0x5d: {  	[sflag:s5] =	ssyncset.done $0x0;
	s24 =	sshll.u32 s23, $0xE  }
0x5e: {  	[sflag:s5] =	ssyncadd.s32 $0xFFFFC000;
	s24 =	sor.u32 $0x40, s24  }
0x5f: {  	s23 =	smul.u32 $0x10200, s23;
	v0 =	vld [tilespmem:s24+$0x30]  }
0x60: {  	v1 =	vld [tilespmem:s24+$0xFFFFFFD0]  }
0x61: {  	s23 =	sshrl.u32 s23, $0x2;
	v5 =	vld [tilespmem:s24+$0xFFFFFFE0]  }
0x62: {  	v6 =	vld [tilespmem:s24+$0xFFFFFFF0];
	s26 =	sor.u32 $0x8000, s23  }
0x63: {  	s31 =	sand.u32 $0x1, s18;
	v4 =	vld [tilespmem:s24+$0x0];
	s25 =	sadd.s32 $0x0, s26  }
0x64: {  	v3 =	vld [tilespmem:s24+$0x10];
	s23 =	smul.u32 $0x10200, s31;
	[tilespmem:s25+$0x3870 ss:$0x81] =	vst.msk $0xffff, v0  }
0x65: {  	v2 =	vld [tilespmem:s24+$0x20];
	[tilespmem:s25+$0x810 ss:$0x81] =	vst.msk $0xffff, v1  }
0x66: {  	s23 =	sshrl.u32 s23, $0x2;
	v1 =	vld [tilespmem:s24+$0xFFFFFFC0];
	[tilespmem:s25+$0x1020 ss:$0x81] =	vst.msk $0xffff, v5;
	s24 =	sadd.s32 $0x80, s24  }
0x67: {  	s27 =	simm.s32 $0x4;
	s28 =	simm.s32 $0x8;
	s23 =	sor.u32 $0x8000, s23;
	[tilespmem:s25+$0x1830 ss:$0x81] =	vst.msk $0xffff, v6;
	v0 =	vld [tilespmem:s24+$0x30]  }
.LBB1_3:
0x68: {  	p1 =	sne.s32 s28, $0x1FC;
	v5 =	vld [tilespmem:s24+$0xFFFFFFD0];
	[tilespmem:s25+$0x2040 ss:$0x81] =	vst.msk $0xffff, v4  }
0x69: {  	v6 =	vld [tilespmem:s24+$0xFFFFFFE0];
	[tilespmem:s25+$0x2850 ss:$0x81] =	vst.msk $0xffff, v3  }
0x6a: {  	s29 =	sshra.s32 s27, $0x2;
	s27 =	smov.u32 s28;
	v7 =	vld [tilespmem:s24+$0xFFFFFFF0];
	[tilespmem:s25+$0x3060 ss:$0x81] =	vst.msk $0xffff, v2  }
.Ltmp3:
0x6b: {  	v4 =	vld [tilespmem:s24+$0x0];
	[tilespmem:s25+$0x0 ss:$0x81] =	vst.msk $0xffff, v1;
	s25 =	sadd.s32 s29, s26;
	(pc) =	sbr.rel @p1 .LBB1_3-.Ltmp3, $4  }
0x6c: {  	v3 =	vld [tilespmem:s24+$0x10];
	[tilespmem:s25+$0x3870 ss:$0x81] =	vst.msk $0xffff, v0  }
0x6d: {  	[tilespmem:s25+$0x810 ss:$0x81] =	vst.msk $0xffff, v5;
	v2 =	vld [tilespmem:s24+$0x20]  }
0x6e: {  	v1 =	vld [tilespmem:s24+$0xFFFFFFC0];
	[tilespmem:s25+$0x1020 ss:$0x81] =	vst.msk $0xffff, v6;
	s24 =	sadd.s32 $0x80, s24  }
0x6f: {  	s28 =	sadd.s32 $0x4, s28;
	v0 =	vld [tilespmem:s24+$0x30];
	[tilespmem:s25+$0x1830 ss:$0x81] =	vst.msk $0xffff, v7  }
.Ltmp4:
0x70: {  	_ = 	snop;
	(pc) =	sbr.rel .LBB1_4-.Ltmp4, $1  }
0x71: {  	_ =	sdelay $0x3  }
.LBB1_6:
0x72: {  	_ =	sfence.sel $0x180000  }
0x73: {  	s0 =	simm.s32 $0x1;
	[bflag:$0x0] =	sbarrier.arrive $0xFFFF  }
0x74: {  	s30 =	simm.s32 $0x2;
	[sflag:s0] =	ssyncpa.u1 $0x1  }
0x75: {  	[sflag:s30] =	ssyncpa.u1 $0x1  }
0x76: {  	_ =	strace $0x90000047  }
0x77: {  	s31 =	stileid.u32;
	[bflag:$0x2] =	sbarrier.arrive $0xFFFF  }
0x78: {  	p0 =	sne.s32 s31, $0x0;
	s0 =	rddreg [dreg:$0x2]  }
0x79: {  	s0 =	sadd.s32 @!p0 $0x100000, s0  }
0x7a: {  	[sflag:s0] =	ssyncadd.tile.s32 @!p0 $0x1;
	_ =	shalt  }
.Lfunc_end1:
_tile_overlayer_lowered:
.L_overlay_start_2:
0x7b: {  	(tag) =	ssettag $0x2  }
0x7c: {  	s0 =	rddreg [dreg:$0x0];
	s2 =	stileid.u32  }
0x7d: {  	s1 =	rddreg [dreg:$0x1];
	p0 =	sne.s32 s2, $0x0  }
0x7e: {  	s3 =	rddreg [dreg:$0x2];
	[bflag:$0x3] =	sbarrier.arrive $0xFFFF;
	s2 =	simm.s32 @!p0 $0x1C01  }
0x7f: {  	[timem:s3], [sflag:s2] =	dma.local @!p0 [hbm:s0], s1  }
0x80: {  	s0 =	simm.s32 @!p0 $0x1  }
0x81: {  	_ =	swait.ge @!p0 [sflag:s0], s1  }
0x82: {  	s1 =	ssub.s32 @!p0 $0x0, s1;
	[sflag:s0] =	ssyncset.done @!p0 $0x0  }
0x83: {  	[sflag:s0] =	ssyncadd.s32 @!p0 s1  }
0x84: {  	[bflag:$0x3] =	sbarrier.arrive $0xFFFF  }
0x85: {  	_ =	shalt  }

</sc_bundles>
